<compile_context>
chip_gen: v7x
topology: tpu7x:2x2x1
jax: 0.10.2.dev20260603
libtpu: 0.0.44.dev20260713+nightly
codegen_flags: <defaults>
</compile_context>

<pallas_src>
import functools

import jax
import jax.numpy as jnp
from jax import lax
from jax.experimental import pallas as pl
from jax.experimental.pallas import tpu as pltpu
from jax.experimental.pallas import tpu_sc as plsc

_TM = 512
_FT = 1024
_NW = 32


def _routing_body(ids_ref, dest_ref, deste_ref, desto_ref, offs_ref, sched_ref):
    T = ids_ref.shape[0]
    E = 8
    TM = _TM
    N = T * 2
    nT = N // TM
    S = sched_ref.shape[0]
    ids = ids_ref[...]
    lane_e = lax.broadcasted_iota(jnp.int32, (1, E), 1)
    m0 = (ids[:, 0:1] == lane_e).astype(jnp.int32)
    m1 = (ids[:, 1:2] == lane_e).astype(jnp.int32)
    rowcnt = m0 + m1
    c = rowcnt
    k = 1
    while k < T:
        z = jnp.zeros((k, E), jnp.int32)
        c = c + jnp.concatenate([z, c[:T - k]], axis=0)
        k *= 2
    ex_row = c - rowcnt
    counts = c[T - 1:T, :]
    oc = counts
    k = 1
    while k < E:
        z = jnp.zeros((1, k), jnp.int32)
        oc = oc + jnp.concatenate([z, oc[:, :E - k]], axis=1)
        k *= 2
    offs_ex = oc - counts
    offs_ref[...] = jnp.concatenate(
        [jnp.zeros((1, 1), jnp.int32), oc], axis=1)
    rank0 = ex_row
    rank1 = ex_row + m0
    dest0 = jnp.sum(m0 * (offs_ex + rank0), axis=1, keepdims=True)
    dest1 = jnp.sum(m1 * (offs_ex + rank1), axis=1, keepdims=True)
    dest_ref[...] = jnp.concatenate([dest0, dest1], axis=1)
    deste_ref[...] = dest0
    desto_ref[...] = dest1
    first_tile = offs_ex // TM
    last_tile = jnp.maximum(oc - 1, 0) // TM
    nonempty = counts > 0
    ntiles = jnp.where(nonempty, last_tile - first_tile + 1, 0)
    ce = ntiles
    k = 1
    while k < E:
        z = jnp.zeros((1, k), jnp.int32)
        ce = ce + jnp.concatenate([z, ce[:, :E - k]], axis=1)
        k *= 2
    cum = ce - ntiles
    s_iota = lax.broadcasted_iota(jnp.int32, (S, 1), 0)
    e_s = jnp.sum((s_iota >= ce).astype(jnp.int32), axis=1, keepdims=True)
    e_cl = jnp.minimum(e_s, E - 1)
    sel = (e_cl == lax.broadcasted_iota(jnp.int32, (S, E), 1)).astype(jnp.int32)
    first_sel = jnp.sum(sel * first_tile, axis=1, keepdims=True)
    cum_sel = jnp.sum(sel * cum, axis=1, keepdims=True)
    t_s = first_sel + s_iota - cum_sel
    total = ce[:, E - 1:E]
    valid = s_iota < total
    lane_e8 = lax.broadcasted_iota(jnp.int32, (1, E), 1)
    last_valid_e = jnp.max(jnp.where(nonempty, lane_e8, -1))
    step_e = jnp.where(valid, e_cl, last_valid_e)
    step_t = jnp.where(valid, t_s, nT - 1)
    prev_t = jnp.concatenate(
        [jnp.full((1, 1), -1, jnp.int32), step_t[:S - 1]], axis=0)
    step_init = jnp.where(step_t != prev_t, 1, 0)
    step_init = jnp.where(valid, step_init, 2)
    sched_ref[...] = jnp.concatenate([step_t, step_e, step_init], axis=1)


def _routing(topk_ids, E, TM):
    T, K = topk_ids.shape
    N = T * K
    nT = N // TM
    S = nT + E - 1
    return pl.pallas_call(
        _routing_body,
        out_shape=(
            jax.ShapeDtypeStruct((T, 2), jnp.int32),
            jax.ShapeDtypeStruct((T, 1), jnp.int32),
            jax.ShapeDtypeStruct((T, 1), jnp.int32),
            jax.ShapeDtypeStruct((1, E + 1), jnp.int32),
            jax.ShapeDtypeStruct((S, 3), jnp.int32),
        ),
    )(topk_ids)


@functools.partial(jax.jit, static_argnums=())
def _sc_dispatch(hidden, dest_e, dest_o):
    T, D = hidden.shape
    tok_pw = T // _NW
    mesh = plsc.VectorSubcoreMesh(core_axis_name="c", subcore_axis_name="s")

    @functools.partial(
        pl.kernel, mesh=mesh,
        out_type=jax.ShapeDtypeStruct((2 * T, D), jnp.float32),
        scratch_types=[
            pltpu.VMEM((tok_pw,), jnp.int32),
            pltpu.VMEM((tok_pw,), jnp.int32),
            pltpu.VMEM((tok_pw, D), jnp.float32),
            pltpu.SemaphoreType.DMA,
        ],
    )
    def k(hid_hbm, de_hbm, do_hbm, xs_hbm, ie_v, io_v, rows_v, sem):
        wid = lax.axis_index("s") * 2 + lax.axis_index("c")
        base = wid * tok_pw
        pltpu.sync_copy(de_hbm.at[pl.ds(base, tok_pw)], ie_v)
        pltpu.sync_copy(do_hbm.at[pl.ds(base, tok_pw)], io_v)
        pltpu.sync_copy(hid_hbm.at[pl.ds(base, tok_pw)], rows_v)
        cp1 = pltpu.async_copy(rows_v, xs_hbm.at[ie_v], sem)
        cp2 = pltpu.async_copy(rows_v, xs_hbm.at[io_v], sem)
        cp1.wait()
        cp2.wait()

    return k(hidden, dest_e, dest_o)


def _sc_unsort(ys, dest_flat):
    N, D = ys.shape
    per_w = N // _NW
    chunk = per_w // 2
    mesh = plsc.VectorSubcoreMesh(core_axis_name="c", subcore_axis_name="s")

    @functools.partial(
        pl.kernel, mesh=mesh,
        out_type=jax.ShapeDtypeStruct((N, D), jnp.float32),
        scratch_types=[
            pltpu.VMEM((chunk,), jnp.int32),
            pltpu.VMEM((chunk, D), jnp.float32),
            pltpu.SemaphoreType.DMA,
        ],
    )
    def k(ys_hbm, dest_hbm, out_hbm, idx_v, rows_v, sem):
        wid = lax.axis_index("s") * 2 + lax.axis_index("c")
        for c in range(2):
            base = wid * per_w + c * chunk
            pltpu.sync_copy(dest_hbm.at[pl.ds(base, chunk)], idx_v)
            pltpu.async_copy(ys_hbm.at[idx_v], rows_v, sem).wait()
            pltpu.sync_copy(rows_v, out_hbm.at[pl.ds(base, chunk)])

    return k(ys, dest_flat)


def _grouped_body(sched_ref, offs_ref, xs_ref, w1_ref, w3_ref, w2_ref, ys_ref):
    f = pl.program_id(0)
    s = pl.program_id(1)
    e = sched_ref[s, 1]
    flag = sched_ref[s, 2]
    lo = offs_ref[0, e]
    hi = offs_ref[0, e + 1]
    row0 = sched_ref[s, 0] * _TM
    nonempty = jnp.logical_and(flag != 2,
                               jnp.logical_and(row0 < hi, row0 + _TM > lo))
    init = jnp.logical_and(flag == 1, f == 0)

    @pl.when(nonempty)
    def _():
        x = xs_ref[...]
        g = lax.dot_general(x, w1_ref[0], (((1,), (1,)), ((), ())),
                            preferred_element_type=jnp.float32)
        u = lax.dot_general(x, w3_ref[0], (((1,), (1,)), ((), ())),
                            preferred_element_type=jnp.float32)
        h = (g * jax.nn.sigmoid(g)) * u
        y = lax.dot_general(h, w2_ref[0], (((1,), (1,)), ((), ())),
                            preferred_element_type=jnp.float32)
        gidx = row0 + lax.broadcasted_iota(jnp.int32, (_TM, 1), 0)
        m = jnp.logical_and(gidx >= lo, gidx < hi).astype(jnp.float32)
        contrib = y * m

        @pl.when(init)
        def _():
            ys_ref[pl.ds(row0, _TM), :] = contrib

        @pl.when(jnp.logical_not(init))
        def _():
            ys_ref[pl.ds(row0, _TM), :] = ys_ref[pl.ds(row0, _TM), :] + contrib


def _grouped_matmul(xs, w1, w3, w2, sched, offs):
    N, D = xs.shape
    E, DFF, _ = w1.shape
    S = sched.shape[0]
    n_f = DFF // _FT
    grid_spec = pltpu.PrefetchScalarGridSpec(
        num_scalar_prefetch=2,
        grid=(n_f, S),
        in_specs=[
            pl.BlockSpec((_TM, D), lambda f, s, sc, off: (sc[s, 0], 0)),
            pl.BlockSpec((1, _FT, D), lambda f, s, sc, off: (sc[s, 1], f, 0)),
            pl.BlockSpec((1, _FT, D), lambda f, s, sc, off: (sc[s, 1], f, 0)),
            pl.BlockSpec((1, D, _FT), lambda f, s, sc, off: (sc[s, 1], 0, f)),
        ],
        out_specs=pl.BlockSpec((N, D), lambda f, s, sc, off: (0, 0)),
    )
    return pl.pallas_call(
        _grouped_body,
        grid_spec=grid_spec,
        out_shape=jax.ShapeDtypeStruct((N, D), jnp.float32),
        compiler_params=pltpu.CompilerParams(
            dimension_semantics=("arbitrary", "arbitrary"),
        ),
    )(sched, offs, xs, w1, w3, w2)


def _finalize_body(yu_ref, tw_ref, out_ref):
    D = out_ref.shape[1]
    a = yu_ref[:, :D]
    b = yu_ref[:, D:]
    out_ref[...] = a * tw_ref[:, 0:1] + b * tw_ref[:, 1:2]


def _finalize(ys_u2, topk_weights):
    T, D2 = ys_u2.shape
    D = D2 // 2
    TT = T // 2
    return pl.pallas_call(
        _finalize_body,
        grid=(2,),
        in_specs=[
            pl.BlockSpec((TT, D2), lambda i: (i, 0)),
            pl.BlockSpec((TT, 2), lambda i: (i, 0)),
        ],
        out_specs=pl.BlockSpec((TT, D), lambda i: (i, 0)),
        out_shape=jax.ShapeDtypeStruct((T, D), jnp.float32),
    )(ys_u2, topk_weights)


@jax.jit
def kernel(hidden_states, topk_weights, topk_ids, w1, w3, w2):
    T, D = hidden_states.shape
    E = w1.shape[0]
    K = topk_ids.shape[1]
    dest2, dest_e, dest_o, offs, sched = _routing(
        topk_ids.astype(jnp.int32), E, _TM)
    xs = _sc_dispatch(hidden_states, dest_e.reshape(T), dest_o.reshape(T))
    ys = _grouped_matmul(xs, w1, w3, w2, sched, offs)
    ys_u = _sc_unsort(ys, dest2.reshape(T * K))
    ys_u2 = ys_u.reshape(T, K * D)
    return _finalize(ys_u2, topk_weights)

# --- scband reference (transcript-rebuilt; emitter-appended) ---
"""Pipeline reference for scband-fused-moe-26396869001218 (READ-ONLY COPY).

The authoritative reference and input builder live on the scoring server;
editing this copy changes nothing except your own understanding.
"""

import jax, jax.numpy as jnp
import numpy as np

E = 8
TOP_K = 2
T = 2048
D = 1024
DFF = 2048


def setup_inputs(seed: int = 0) -> dict:
    key = jax.random.key(seed)
    ks = jax.random.split(key, 6)
    hidden_states = jax.random.normal(ks[0], (T, D), dtype=jnp.float32)
    topk_weights = jax.random.uniform(ks[1], (T, TOP_K), dtype=jnp.float32)
    topk_ids = jax.random.randint(ks[2], (T, TOP_K), 0, E, dtype=jnp.int32)
    # Expert weights: gated-SiLU MLP per expert (w1 = gate, w3 = up, w2 = down)
    w1 = (jax.random.normal(ks[3], (E, DFF, D), dtype=jnp.float32) * 0.02)
    w3 = (jax.random.normal(ks[4], (E, DFF, D), dtype=jnp.float32) * 0.02)
    w2 = (jax.random.normal(ks[5], (E, D, DFF), dtype=jnp.float32) * 0.02)
    return {
        "hidden_states": hidden_states,
        "topk_weights": topk_weights,
        "topk_ids": topk_ids,
        "w1": w1,
        "w3": w3,
        "w2": w2,
    }


def reference(hidden_states, topk_weights, topk_ids, w1, w3, w2):
    # FusedMoe.forward semantics:
    # 1) router.prepare: dispatch (gather) tokens to experts by topk_ids
    # 2) fused_experts.execute: per-expert gated-SiLU MLP (activation='silu')
    # 3) router.finalize: weight by topk_weights and scatter-add reduce back
    #    (apply_router_weight_on_input=False -> weights applied on output)
    T_, D_ = hidden_states.shape
    flat_ids = topk_ids.reshape(-1)                      # [T*K] expert assignment
    token_idx = jnp.arange(T_ * TOP_K) // TOP_K          # [T*K] source token per slot
    flat_w = topk_weights.reshape(-1)                    # [T*K]
    xe = hidden_states[token_idx]                        # gather (dispatch), static shape
    out = jnp.zeros_like(hidden_states)
    for e in range(E):
        mask = (flat_ids == e).astype(flat_w.dtype)      # [T*K] fixed-shape selection
        h = jax.nn.silu(xe @ w1[e].T) * (xe @ w3[e].T)   # silu_and_mul
        ye = h @ w2[e].T                                 # down proj
        out = out.at[token_idx].add(ye * (flat_w * mask)[:, None])  # weighted scatter-add (finalize)
    assert out.shape == hidden_states.shape
    return out

if __name__ == "__main__":
    import jax
    _d = setup_inputs()
    print(jax.jit(kernel)(*tuple(_d.values())))

</pallas_src>

<mosaic_0001>
#map = affine_map<(d0, d1) -> (0, 0)>
#map1 = affine_map<(d0, d1) -> (0)>
module attributes {stable_mosaic.version = 14 : i64} {
  func.func @k(%arg0: i32, %arg1: i32, %arg2: memref<2048x1024xf32, #tpu.memory_space<hbm>>, %arg3: memref<2048xi32, #tpu.memory_space<hbm>>, %arg4: memref<2048xi32, #tpu.memory_space<hbm>>, %arg5: memref<4096x1024xf32, #tpu.memory_space<hbm>>, %arg6: memref<64xi32, #tpu.memory_space<vmem>>, %arg7: memref<64xi32, #tpu.memory_space<vmem>>, %arg8: memref<64x1024xf32, #tpu.memory_space<vmem>>, %arg9: memref<!tpu.dma_semaphore, #tpu.memory_space<semaphore_mem>>) attributes {dimension_semantics = [#tpu.dimension_semantics<core_parallel>, #tpu.dimension_semantics<subcore_parallel>], iteration_bounds = array<i64: 2, 16>, scalar_prefetch = 0 : i64, scratch_operands = 4 : i64, tpu.core_type = #tpu.core_type<sc_vector_subcore>, window_params = [{transform_indices = #map}, {transform_indices = #map1}, {transform_indices = #map1}, {transform_indices = #map}]} {
    %mul3A = arith.constant 2 : i32
    %mul3A_0 = arith.muli %arg1, %mul3A : i32
    %add3A = arith.addi %mul3A_0, %arg0 : i32
    %mul3A_1 = arith.constant 64 : i32
    %mul3A_2 = arith.muli %add3A, %mul3A_1 : i32
    "tpu.region"() ({
      %run_scoped3A = tpu.sem_alloc : memref<!tpu.dma_semaphore, #tpu.memory_space<semaphore_mem>>
      %dma_start3A_13 = tpu.memref_slice %arg3[%mul3A_2] : memref<2048xi32, #tpu.memory_space<hbm>> -> memref<64xi32, #tpu.memory_space<hbm>>
      %dma_start3A_14 = tpu.memref_slice %arg3[%mul3A_2] : memref<2048xi32, #tpu.memory_space<hbm>> -> memref<64xi32, #tpu.memory_space<hbm>>
      tpu.enqueue_dma source(%dma_start3A_14 : memref<64xi32, #tpu.memory_space<hbm>>) target(%arg6 : memref<64xi32, #tpu.memory_space<vmem>>) target_semaphore(%run_scoped3A : memref<!tpu.dma_semaphore, #tpu.memory_space<semaphore_mem>>)
      %dma_wait3A_15 = tpu.memref_slice %arg3[%mul3A_2] : memref<2048xi32, #tpu.memory_space<hbm>> -> memref<64xi32, #tpu.memory_space<hbm>>
      %dma_wait3A_16 = tpu.memref_slice %arg3[%mul3A_2] : memref<2048xi32, #tpu.memory_space<hbm>> -> memref<64xi32, #tpu.memory_space<hbm>>
      tpu.wait_dma2 semaphore(%run_scoped3A : memref<!tpu.dma_semaphore, #tpu.memory_space<semaphore_mem>>) src(%dma_wait3A_16 : memref<64xi32, #tpu.memory_space<hbm>>) dst(%arg6 : memref<64xi32, #tpu.memory_space<vmem>>)
      tpu.yield
    }) : () -> ()
    "tpu.region"() ({
      %run_scoped3A = tpu.sem_alloc : memref<!tpu.dma_semaphore, #tpu.memory_space<semaphore_mem>>
      %dma_start3A_13 = tpu.memref_slice %arg4[%mul3A_2] : memref<2048xi32, #tpu.memory_space<hbm>> -> memref<64xi32, #tpu.memory_space<hbm>>
      %dma_start3A_14 = tpu.memref_slice %arg4[%mul3A_2] : memref<2048xi32, #tpu.memory_space<hbm>> -> memref<64xi32, #tpu.memory_space<hbm>>
      tpu.enqueue_dma source(%dma_start3A_14 : memref<64xi32, #tpu.memory_space<hbm>>) target(%arg7 : memref<64xi32, #tpu.memory_space<vmem>>) target_semaphore(%run_scoped3A : memref<!tpu.dma_semaphore, #tpu.memory_space<semaphore_mem>>)
      %dma_wait3A_15 = tpu.memref_slice %arg4[%mul3A_2] : memref<2048xi32, #tpu.memory_space<hbm>> -> memref<64xi32, #tpu.memory_space<hbm>>
      %dma_wait3A_16 = tpu.memref_slice %arg4[%mul3A_2] : memref<2048xi32, #tpu.memory_space<hbm>> -> memref<64xi32, #tpu.memory_space<hbm>>
      tpu.wait_dma2 semaphore(%run_scoped3A : memref<!tpu.dma_semaphore, #tpu.memory_space<semaphore_mem>>) src(%dma_wait3A_16 : memref<64xi32, #tpu.memory_space<hbm>>) dst(%arg7 : memref<64xi32, #tpu.memory_space<vmem>>)
      tpu.yield
    }) : () -> ()
    "tpu.region"() ({
      %run_scoped3A = tpu.sem_alloc : memref<!tpu.dma_semaphore, #tpu.memory_space<semaphore_mem>>
      %dma_start3A_13 = arith.constant 0 : i32
      %dma_start3A_14 = tpu.memref_slice %arg2[%mul3A_2, %dma_start3A_13] : memref<2048x1024xf32, #tpu.memory_space<hbm>> -> memref<64x1024xf32, #tpu.memory_space<hbm>>
      %dma_start3A_15 = arith.constant 0 : i32
      %dma_start3A_16 = tpu.memref_slice %arg2[%mul3A_2, %dma_start3A_15] : memref<2048x1024xf32, #tpu.memory_space<hbm>> -> memref<64x1024xf32, #tpu.memory_space<hbm>>
      tpu.enqueue_dma source(%dma_start3A_16 : memref<64x1024xf32, #tpu.memory_space<hbm>>) target(%arg8 : memref<64x1024xf32, #tpu.memory_space<vmem>>) target_semaphore(%run_scoped3A : memref<!tpu.dma_semaphore, #tpu.memory_space<semaphore_mem>>)
      %dma_wait3A_17 = arith.constant 0 : i32
      %dma_wait3A_18 = tpu.memref_slice %arg2[%mul3A_2, %dma_wait3A_17] : memref<2048x1024xf32, #tpu.memory_space<hbm>> -> memref<64x1024xf32, #tpu.memory_space<hbm>>
      %dma_wait3A_19 = arith.constant 0 : i32
      %dma_wait3A_20 = tpu.memref_slice %arg2[%mul3A_2, %dma_wait3A_19] : memref<2048x1024xf32, #tpu.memory_space<hbm>> -> memref<64x1024xf32, #tpu.memory_space<hbm>>
      tpu.wait_dma2 semaphore(%run_scoped3A : memref<!tpu.dma_semaphore, #tpu.memory_space<semaphore_mem>>) src(%dma_wait3A_20 : memref<64x1024xf32, #tpu.memory_space<hbm>>) dst(%arg8 : memref<64x1024xf32, #tpu.memory_space<vmem>>)
      tpu.yield
    }) : () -> ()
    %dma_start3A = arith.constant 0 : i32
    %dma_start3A_3 = arith.constant 0 : i32
    %dma_start3A_4 = tpu.memref_slice %arg5[%dma_start3A, %dma_start3A_3] : memref<4096x1024xf32, #tpu.memory_space<hbm>> -> memref<4096x1024xf32, #tpu.memory_space<hbm>>
    tpu.enqueue_indirect_dma source(%arg8 : memref<64x1024xf32, #tpu.memory_space<vmem>>) target(%dma_start3A_4 : memref<4096x1024xf32, #tpu.memory_space<hbm>>) offsets(%arg6 : memref<64xi32, #tpu.memory_space<vmem>>) semaphore(%arg9 : memref<!tpu.dma_semaphore, #tpu.memory_space<semaphore_mem>>)
    %dma_start3A_5 = arith.constant 0 : i32
    %dma_start3A_6 = arith.constant 0 : i32
    %dma_start3A_7 = tpu.memref_slice %arg5[%dma_start3A_5, %dma_start3A_6] : memref<4096x1024xf32, #tpu.memory_space<hbm>> -> memref<4096x1024xf32, #tpu.memory_space<hbm>>
    tpu.enqueue_indirect_dma source(%arg8 : memref<64x1024xf32, #tpu.memory_space<vmem>>) target(%dma_start3A_7 : memref<4096x1024xf32, #tpu.memory_space<hbm>>) offsets(%arg7 : memref<64xi32, #tpu.memory_space<vmem>>) semaphore(%arg9 : memref<!tpu.dma_semaphore, #tpu.memory_space<semaphore_mem>>)
    %dma_wait3A = arith.constant 0 : i32
    %dma_wait3A_8 = arith.constant 0 : i32
    %dma_wait3A_9 = tpu.memref_slice %arg5[%dma_wait3A, %dma_wait3A_8] : memref<4096x1024xf32, #tpu.memory_space<hbm>> -> memref<4096x1024xf32, #tpu.memory_space<hbm>>
    tpu.wait_indirect_dma semaphore(%arg9 : memref<!tpu.dma_semaphore, #tpu.memory_space<semaphore_mem>>) src(%arg8 : memref<64x1024xf32, #tpu.memory_space<vmem>>) dst(%dma_wait3A_9 : memref<4096x1024xf32, #tpu.memory_space<hbm>>)
    %dma_wait3A_10 = arith.constant 0 : i32
    %dma_wait3A_11 = arith.constant 0 : i32
    %dma_wait3A_12 = tpu.memref_slice %arg5[%dma_wait3A_10, %dma_wait3A_11] : memref<4096x1024xf32, #tpu.memory_space<hbm>> -> memref<4096x1024xf32, #tpu.memory_space<hbm>>
    tpu.wait_indirect_dma semaphore(%arg9 : memref<!tpu.dma_semaphore, #tpu.memory_space<semaphore_mem>>) src(%arg8 : memref<64x1024xf32, #tpu.memory_space<vmem>>) dst(%dma_wait3A_12 : memref<4096x1024xf32, #tpu.memory_space<hbm>>)
    return
  }
}

</mosaic_0001>

<sc_bundles>
// kernel: _sc_dispatch.3.cloned.1.call-start
scs
__scs_entry_jumppad:
0x0: {  	(pc) =	sbr.rel $0x88, $3  }
0x1: {  	(tag) =	ssettag $0x0;
	lr =	simm.s32 $0x1  }
0x2: {  	[smem:$0x3F9E] =	sst lr;
	_ =	strace $0xD0000000  }
0x3: {  	_ = 	snop  }
0x4: {  	_ = 	snop  }
0x5: {  	_ = 	snop  }
0x6: {  	_ = 	snop  }
0x7: {  	_ = 	snop  }
__scs_overlays_trampoline_lowered:
0x8: {  	[smem:$0x3FAD] =	sst s0  }
0x9: {  	[smem:$0x3FAE] =	sst s1  }
0xa: {  	[smem:$0x3FAF] =	sst s2  }
0xb: {  	[smem:$0x3FB0] =	sst s3  }
0xc: {  	[smem:$0x3FB1] =	sst s4  }
0xd: {  	[smem:$0x3FB2] =	sst s5  }
0xe: {  	[smem:$0x3FB3] =	sst s6  }
0xf: {  	[smem:$0x3FB4] =	sst s7  }
0x10: {  	[smem:$0x3FB5] =	sst s8  }
0x11: {  	[smem:$0x3FB6] =	sst s9;
	s0 =	simm.s32 @!p0 $0x0  }
0x12: {  	s1 =	sld [smem:$0x3F9C];
	s0 =	simm.s32 @p0 $0x1  }
0x13: {  	[smem:$0x3FB7] =	sst s0;
	s0 =	simm.s32 @!p1 $0x0  }
0x14: {  	s2 =	sld [smem:$0x3F9B];
	s0 =	simm.s32 @p1 $0x1  }
0x15: {  	[smem:$0x3FB8] =	sst s0;
	s0 =	simm.s32 @!p2 $0x0  }
0x16: {  	s3 =	sld [smem:$0x3FDB];
	s0 =	simm.s32 @p2 $0x1  }
0x17: {  	s4 =	simm.s32 $0x1BF5;
	[smem:$0x3FBA] =	sst s0  }
0x18: {  	s0 =	sld [smem:$0x3F9D];
	_ =	swait.ge [sflag:s4], $0x0  }
0x19: {  	s7 =	sld [smem:$0x3F9E]  }
0x1a: {  	s8 =	sadd.s32 $0xFFFFE003, lr  }
0x1b: {  	s9 =	sadd.s32 $0xFFFFFEF7, lr;
	s5 =	simm.s32 $0xFFFFFFFF;
	p2 =	slt.u32 s8, $0xFFFFF086  }
0x1c: {  	p1 =	slt.u32 s9, $0xF7A;
	s5 =	simm.s32 @!p2 $0x0  }
0x1d: {  	s5 =	simm.s32 @p1 $0x1;
	p0 =	seq.s32 s7, s2  }
0x1e: {  	s7 =	smul.u32 @!p0 $0xF7A, s2;
	p2 =	seq.s32 @!p0 s5, $0x0  }
0x1f: {  	s9 =	smul.u32 $0xF7A, s1;
	s8 =	simm.s32 @!p0 $0x1BF5;
	p2 =	por !p2, p0  }
0x20: {  	[sflag:s8] =	ssyncset.s32 @!p0 $0xFFFFF086;
	s6 =	sadd.s32 @!p0 s3, s7;
	s7 =	simm.s32 @!p0 $0x108  }
0x21: {  	s3 =	sadd.s32 s3, s9;
	s6 =	sadd.s32 @!p0 $0x88, s6;
	s7 =	simm.s32 @p2 $0x1082  }
0x22: {  	[simem:s7], [sflag:s8] =	dma.local @!p0 [hbm:s6], $0xF7A  }
0x23: {  	s9 =	sor.u32 $0xD0000000, s2;
	s6 =	simm.s32 $0x108;
	_ =	swait.ge @!p0 [sflag:s8], $0x0  }
0x24: {  	s3 =	sadd.s32 $0x88, s3;
	s6 =	simm.s32 @!p1 $0x1082;
	[sflag:s4] =	ssyncset.s32 $0xFFFFF086  }
0x25: {  	[simem:s6], [sflag:s4] =	dma.local [hbm:s3], $0xF7A  }
0x26: {  	[smem:$0x3F9E] =	sst s1;
	(tag) =	ssettag s2;
	_ =	strace s9  }
0x27: {  	s1 =	sld [smem:$0x3FAE]  }
0x28: {  	s2 =	sld [smem:$0x3FAF]  }
0x29: {  	s4 =	sld [smem:$0x3FB1]  }
0x2a: {  	p0 =	seq.s32 s5, $0x0;
	s5 =	sld [smem:$0x3FB2]  }
0x2b: {  	s6 =	sld [smem:$0x3FB3]  }
0x2c: {  	s7 =	sld [smem:$0x3FB4]  }
0x2d: {  	s3 =	simm.s32 $0x108;
	s8 =	sld [smem:$0x3FB5]  }
0x2e: {  	s3 =	simm.s32 @!p0 $0x1082;
	s9 =	sld [smem:$0x3FB6]  }
0x2f: {  	lr =	sadd.s32 s0, s3;
	s0 =	sld [smem:$0x3FAD]  }
0x30: {  	s3 =	sld [smem:$0x3FB0]  }
0x31: {  	[smem:$0x3FB9] =	sst s10  }
0x32: {  	s10 =	sld [smem:$0x3FB7];
	_ =	sdelay $0x3  }
0x33: {  	p0 =	seq.s32 s10, $0x1;
	s10 =	sld [smem:$0x3FB9];
	_ =	sdelay $0x3  }
0x34: {  	[smem:$0x3FB9] =	sst s10  }
0x35: {  	s10 =	sld [smem:$0x3FB8];
	_ =	sdelay $0x3  }
0x36: {  	p1 =	seq.s32 s10, $0x1;
	s10 =	sld [smem:$0x3FB9];
	_ =	sdelay $0x3  }
0x37: {  	[smem:$0x3FB9] =	sst s10  }
0x38: {  	s10 =	sld [smem:$0x3FBA]  }
0x39: {  	_ = 	snop;
	(pc) =	sbr.ind lr, $3  }
0x3a: {  	_ = 	snop  }
0x3b: {  	_ = 	snop  }
0x3c: {  	p2 =	seq.s32 s10, $0x1;
	s10 =	sld [smem:$0x3FB9]  }
0x3d: {  	_ =	shalt  }
0x3e: {  	_ =	shalt  }
0x3f: {  	_ =	shalt  }
0x40: {  	_ =	shalt  }
0x41: {  	_ =	shalt  }
0x42: {  	_ =	shalt  }
0x43: {  	_ =	shalt  }
0x44: {  	_ =	shalt  }
0x45: {  	_ =	shalt  }
0x46: {  	_ =	shalt  }
0x47: {  	_ =	shalt  }
0x48: {  	_ =	shalt  }
0x49: {  	_ =	shalt  }
0x4a: {  	_ =	shalt  }
0x4b: {  	_ =	shalt  }
0x4c: {  	_ =	shalt  }
0x4d: {  	_ =	shalt  }
0x4e: {  	_ =	shalt  }
0x4f: {  	_ =	shalt  }
0x50: {  	_ =	shalt  }
0x51: {  	_ =	shalt  }
0x52: {  	_ =	shalt  }
0x53: {  	_ =	shalt  }
0x54: {  	_ =	shalt  }
0x55: {  	_ =	shalt  }
0x56: {  	_ =	shalt  }
0x57: {  	_ =	shalt  }
0x58: {  	_ =	shalt  }
0x59: {  	_ =	shalt  }
0x5a: {  	_ =	shalt  }
0x5b: {  	_ =	shalt  }
0x5c: {  	_ =	shalt  }
0x5d: {  	_ =	shalt  }
0x5e: {  	_ =	shalt  }
0x5f: {  	_ =	shalt  }
0x60: {  	_ =	shalt  }
0x61: {  	_ =	shalt  }
0x62: {  	_ =	shalt  }
0x63: {  	_ =	shalt  }
0x64: {  	_ =	shalt  }
0x65: {  	_ =	shalt  }
0x66: {  	_ =	shalt  }
0x67: {  	_ =	shalt  }
0x68: {  	_ =	shalt  }
0x69: {  	_ =	shalt  }
0x6a: {  	_ =	shalt  }
0x6b: {  	_ =	shalt  }
0x6c: {  	_ =	shalt  }
0x6d: {  	_ =	shalt  }
0x6e: {  	_ =	shalt  }
0x6f: {  	_ =	shalt  }
0x70: {  	_ =	shalt  }
0x71: {  	_ =	shalt  }
0x72: {  	_ =	shalt  }
0x73: {  	_ =	shalt  }
0x74: {  	_ =	shalt  }
0x75: {  	_ =	shalt  }
0x76: {  	_ =	shalt  }
0x77: {  	_ =	shalt  }
0x78: {  	_ =	shalt  }
0x79: {  	_ =	shalt  }
0x7a: {  	_ =	shalt  }
0x7b: {  	_ =	shalt  }
0x7c: {  	_ =	shalt  }
0x7d: {  	_ =	shalt  }
0x7e: {  	_ =	shalt  }
0x7f: {  	_ =	shalt  }
0x80: {  	_ =	shalt  }
0x81: {  	_ =	shalt  }
0x82: {  	_ =	shalt  }
0x83: {  	_ =	shalt  }
0x84: {  	_ =	shalt  }
0x85: {  	_ =	shalt  }
0x86: {  	_ =	shalt  }
0x87: {  	_ =	shalt  }
.Lfunc_end0:
.L_simem_size_0:
called_computation_lowered:
.L_overlay_start_0:
0x88: {  	s2 =	sld [smem:$0x3FD9]  }
0x89: {  	s3 =	sld [smem:$0x3FFE];
	_ =	sdelay $0x1  }
0x8a: {  	s1 =	srdreg.scid  }
0x8b: {  	s0 =	sand.u32 $0x1, s1  }
0x8c: {  	s18 =	sshll.u32 s0, $0xA;
	s2 =	sadd.s32 s3, s2  }
0x8d: {  	s2 =	sadd.s32 s2, s18  }
0x8e: {  	[smem:$0x3FC5] =	sst s2  }
0x8f: {  	_ = 	snop  }
0x90: {  	s2 =	sld [smem:$0x3FC9]  }
0x91: {  	s19 =	sld [smem:$0x3FC8]  }
0x92: {  	s4 =	sld [smem:$0x3FC7]  }
0x93: {  	s5 =	sld [smem:$0x3FD0];
	(tm) =	ssettm $0x1  }
0x94: {  	s6 =	sld [smem:$0x3FFB];
	_ =	sdelay $0x3  }
0x95: {  	_ =	strace s6  }
0x96: {  	s6 =	sld [smem:$0x3FFC];
	_ =	sdelay $0x3  }
0x97: {  	_ =	strace s6  }
0x98: {  	s6 =	sld [smem:$0x3FFD];
	_ =	sdelay $0x3  }
0x99: {  	_ =	strace s6  }
0x9a: {  	_ =	strace $0x8FFFFFFF  }
0x9b: {  	s20 =	sld [smem:$0x3FDB];
	_ =	sdelay $0x1  }
0x9c: {  	s7 =	simm.s32 $_scs_section_size  }
0x9d: {  	s8 =	simm.s32 $_size__tile_overlayer_lowered;
	s9 =	simm.s32 $_tile_overlayer_lowered  }
0x9e: {  	s23 =	simm.s32 $0x1BFF;
	s22 =	sshll.u32 s9, $0x1;
	s6 =	sadd.s32 s7, s20  }
0x9f: {  	s10 =	simm.s32 $0x0;
	s21 =	sshll.u32 s8, $0x1;
	s8 =	sadd.s32 s22, s6  }
0xa0: {  	[timem:s10], [sflag:s23] =	dma.local [hbm:s8], s21  }
0xa1: {  	_ =	swait.ge [sflag:s23], s21  }
0xa2: {  	s7 =	ssub.s32 $0x0, s21;
	[sflag:s23] =	ssyncset.done $0x0  }
0xa3: {  	[sflag:s23] =	ssyncadd.s32 s7;
	_ =	sdelay $0x1  }
0xa4: {  	s24 =	simm.s32 $0x1B8B  }
0xa5: {  	_ =	swait.ge [sflag:s24], $0x1  }
0xa6: {  	[sflag:s24] =	ssyncset.done $0x0  }
0xa7: {  	s25 =	simm.s32 $0x1B8E;
	[sflag:s24] =	ssyncadd.s32 $0xFFFFFFFF  }
0xa8: {  	s26 =	simm.s32 $execute0_lowered;
	[smem:$0x3FD2] =	sst s25  }
0xa9: {  	s7 =	sshll.u32 s26, $0x1;
	_ =	strace $0x80000046;
	[dreg:$0x1] =	wrdreg $0xFFFFFFFF  }
0xaa: {  	s28 =	simm.s32 $_size_execute0_lowered;
	s6 =	sadd.s32 s6, s7;
	[dreg:$0x0] =	wrdreg $0x0  }
0xab: {  	s7 =	sshll.u32 s28, $0x1;
	[dreg:$0x2] =	wrdreg s6  }
0xac: {  	[dreg:$0x3] =	wrdreg s7  }
0xad: {  	[dreg:$0x4] =	wrdreg $0xC0  }
0xae: {  	_ =	task [dreg:s10], $0x5FFFF  }
0xaf: {  	[dreg:$0x1] =	wrdreg $0xFFFFFFFF  }
0xb0: {  	[dreg:$0x0] =	wrdreg $0x60  }
0xb1: {  	[dreg:$0x2] =	wrdreg s2  }
0xb2: {  	[dreg:$0x3] =	wrdreg s19  }
0xb3: {  	[dreg:$0x4] =	wrdreg s4  }
0xb4: {  	[dreg:$0x5] =	wrdreg s5  }
0xb5: {  	[dreg:$0x6] =	wrdreg $0x9  }
0xb6: {  	_ =	task.clear_ibuf [dreg:s10], $0x7FFFF;
	_ =	strace $0x90000046  }
0xb7: {  	s29 =	simm.s32 $0x9;
	_ =	strace $0x80000048  }
0xb8: {  	_ =	swait.ge [sflag:s29], $0x1  }
0xb9: {  	[sflag:s29] =	ssyncadd.s32 $0xFFFFFFFF  }
0xba: {  	_ =	strace $0x90000048  }
0xbb: {  	_ =	sfence  }
0xbc: {  	s30 =	sld [smem:$0x0];
	_ =	sdelay $0x2  }
0xbd: {  	s31 =	sshll.u32 s1, $0xD;
	s1 =	sshrl.u32 s1, $0x2  }
0xbe: {  	s3 =	sand.u32 $0x4000, s31;
	s1 =	sadd.s32 s1, s30  }
0xbf: {  	s0 =	sor.u32 s3, s0;
	s1 =	sshll.u32 s1, $0x11  }
0xc0: {  	s0 =	sor.u32 s1, s0  }
0xc1: {  	s0 =	sadd.s32 $0x8F2B, s0  }
0xc2: {  	[sflag:s0] =	ssyncadd.remote.s32 $0x1  }
0xc3: {  	_ =	sfence.sel $0xFFFF  }
0xc4: {  	[dreg:$0x0] =	wrdreg $0xFFFFFFFF;
	(pc) =	sbr.abs _section_cstart, $3  }
0xc5: {  	[dreg:$0x1] =	wrdreg $0xFFFFFFFF  }
0xc6: {  	_ =	task.clear_ibuf [dreg:s10], $0x2FFFF;
	_ =	strace $0x9FFFFFFF  }
0xc7: {  	(tm) =	ssettm $0x7FFFFFFF  }
tec
execute0_lowered:
.L_overlay_start_1:
0x0: {  	(tag) =	ssettag $0x1  }
0x1: {  	s0 =	rddreg [dreg:$0x0]  }
0x2: {  	s1 =	rddreg [dreg:$0x1];
	s2 =	srdreg.scid  }
0x3: {  	s4 =	rddreg [dreg:$0x2];
	s3 =	stileid.u32;
	s26 =	simm.s32 $0x80  }
0x4: {  	s8 =	simm.s32 $0x2;
	s18 =	simm.s32 $0x100;
	s21 =	simm.s32 $0x1900  }
0x5: {  	s28 =	simm.s32 $0x4900;
	s29 =	simm.s32 $0x5100;
	s30 =	simm.s32 $0x5900  }
0x6: {  	s31 =	simm.s32 $0x6100;
	s10 =	simm.s32 $0x7900;
	s11 =	simm.s32 $0x8100  }
0x7: {  	s12 =	simm.s32 $0x8900;
	s13 =	simm.s32 $0x9100;
	s14 =	simm.s32 $0x9900  }
0x8: {  	s15 =	simm.s32 $0xA100;
	s16 =	simm.s32 $0xA900;
	s17 =	simm.s32 $0xB100  }
0x9: {  	s9 =	simm.s32 $0xB900;
	s5 =	sand.u32 $0x1, s2;
	s2 =	rddreg [dreg:$0x3]  }
0xa: {  	s6 =	sshll.u32 s3, $0x7;
	s3 =	simm.s32 $0x0;
	s7 =	sshll.u32 s5, $0x6  }
0xb: {  	[smem:$0x7FF] =	sst s3;
	s5 =	ssub.s32 $0x2, s5;
	s6 =	sor.u32 s7, s6  }
0xc: {  	_ =	strace $0x80000047;
	s24 =	sshrl.u32 s5, $0x1;
	[dreg:$0x8] =	wrdreg s26  }
0xd: {  	s26 =	simm.s32 $0x4100;
	s7 =	sshrl.u32 s6, $0x3;
	s23 =	sshll.u32 s6, $0x7  }
0xe: {  	s25 =	ssub.s32 s5, s24;
	s5 =	sadd.s32 $0x200, s2;
	s6 =	sadd.s32 $0x300, s2  }
0xf: {  	s24 =	simm.s32 $0x3100;
	s1 =	sadd.s32 s1, s7;
	s22 =	sadd.s32 s4, s7  }
0x10: {  	v2 =	vlaneseq.u32;
	s0 =	sadd.s32 s0, s23;
	s4 =	sadd.s32 $0x100, s2;
	[dreg:$0x5] =	wrdreg s1  }
0x11: {  	vm0 =	vmmov $0xffff;
	v1 =	vshrl.u32 v2, $0x3;
	s7 =	smax.u32 s25, $0x1;
	s23 =	simm.s32 $0x2900;
	[dreg:$0x6] =	wrdreg s22  }
0x12: {  	v0 =	vand.u32 $0x7, v2;
	v2 =	vor.u32 $0x8, v2;
	v1 =	vmul.u32 $0x8, v1;
	s25 =	simm.s32 $0x3900;
	[dreg:$0x7] =	wrdreg s0;
	s22 =	simm.s32 $0x2100  }
.LBB2_1:
0x13: {  	s19 =	rddreg [dreg:$0x5]  }
0x14: {  	[tilespmem:s3], [sflag:$0x2] =	stream.linear.gather [hbm4b:s19+s3], $0x40, $0x38;
	[tilespmem:$0x10100] =	vst v63  }
0x15: {  	_ =	swait.ge [sflag:s8], $0x40  }
0x16: {  	s0 =	rddreg [dreg:$0x6];
	[sflag:s8] =	ssyncset.done $0x0  }
0x17: {  	s20 =	rddreg [dreg:$0x8];
	[sflag:s8] =	ssyncadd.s32 $0xFFFFFFC0  }
0x18: {  	[tilespmem:s20], [sflag:$0x2] =	stream.linear.gather [hbm4b:s0+s3], $0x40, $0x38;
	[tilespmem:$0x10100] =	vst v63  }
0x19: {  	_ =	swait.ge [sflag:s8], $0x40  }
0x1a: {  	[sflag:s8] =	ssyncset.done $0x0  }
0x1b: {  	s1 =	rddreg [dreg:$0x7];
	[sflag:s8] =	ssyncadd.s32 $0xFFFFFFC0  }
0x1c: {  	[tilespmem:s18], [sflag:$0x2] =	stream.linear.gather [hbm4b:s1+s3], $0x10000, $0x38;
	[tilespmem:$0x10100] =	vst v63  }
0x1d: {  	_ =	swait.ge [sflag:s8], $0x10000  }
0x1e: {  	[sflag:s8] =	ssyncset.done $0x0  }
0x1f: {  	[sflag:s8] =	ssyncadd.s32 $0xFFFF0000  }
0x20: {  	v3 =	vld [tilespmem:$0x0];
	_ =	sdelay $0x4  }
0x21: {  	v4 =	vshll.u32 v3, $0x3  }
0x22: {  	v3 =	vand.u32 $0x7, v3;
	v4 =	vand.u32 $0xFFFFFFC0, v4  }
0x23: {  	v3 =	vor.u32 v3, v4  }
0x24: {  	v4 =	vperm.xlane v3, v0;
	_ =	sdelay $0x1  }
0x25: {  	v4 =	vadd.s32 v1, v4;
	_ =	sdelay $0x4  }
0x26: {  	[hbm4b:s2+s3] =	stream.indirect_vreg.scatter [tilespmem:s18], [sflag:$0x1], $0x80, v4, vm0, $0xb8;
	[tilespmem:$0x10100] =	vst v63  }
0x27: {  	s19 =	simm.s32 $0x900;
	v3 =	vperm.xlane v3, v2  }
0x28: {  	[hbm4b:s4+s3] =	stream.indirect_vreg.scatter [tilespmem:s19], [sflag:$0x1], $0x80, v4, vm0, $0xb8;
	[tilespmem:$0x10100] =	vst v63  }
0x29: {  	s20 =	simm.s32 $0x1100;
	v3 =	vadd.s32 v1, v3  }
0x2a: {  	[hbm4b:s5+s3] =	stream.indirect_vreg.scatter [tilespmem:s20], [sflag:$0x1], $0x80, v4, vm0, $0xb8;
	[tilespmem:$0x10100] =	vst v63  }
0x2b: {  	_ = 	snop  }
0x2c: {  	[hbm4b:s6+s3] =	stream.indirect_vreg.scatter [tilespmem:s21], [sflag:$0x1], $0x80, v4, vm0, $0xb8;
	[tilespmem:$0x10100] =	vst v63  }
0x2d: {  	_ = 	snop  }
0x2e: {  	[hbm4b:s2+s3] =	stream.indirect_vreg.scatter [tilespmem:s22], [sflag:$0x1], $0x80, v3, vm0, $0xb8;
	[tilespmem:$0x10100] =	vst v63  }
0x2f: {  	_ = 	snop  }
0x30: {  	[hbm4b:s4+s3] =	stream.indirect_vreg.scatter [tilespmem:s23], [sflag:$0x1], $0x80, v3, vm0, $0xb8;
	[tilespmem:$0x10100] =	vst v63  }
0x31: {  	_ = 	snop  }
0x32: {  	[hbm4b:s5+s3] =	stream.indirect_vreg.scatter [tilespmem:s24], [sflag:$0x1], $0x80, v3, vm0, $0xb8;
	[tilespmem:$0x10100] =	vst v63  }
0x33: {  	_ = 	snop  }
0x34: {  	[hbm4b:s6+s3] =	stream.indirect_vreg.scatter [tilespmem:s25], [sflag:$0x1], $0x80, v3, vm0, $0xb8;
	[tilespmem:$0x10100] =	vst v63  }
0x35: {  	v3 =	vld [tilespmem:$0x10];
	_ =	sdelay $0x4  }
0x36: {  	v57 =	vshll.u32 v3, $0x3  }
0x37: {  	v3 =	vand.u32 $0x7, v3;
	v4 =	vand.u32 $0xFFFFFFC0, v57  }
0x38: {  	v3 =	vor.u32 v3, v4  }
0x39: {  	v4 =	vperm.xlane v3, v0;
	_ =	sdelay $0x1  }
0x3a: {  	v4 =	vadd.s32 v1, v4;
	_ =	sdelay $0x4  }
0x3b: {  	[hbm4b:s2+s3] =	stream.indirect_vreg.scatter [tilespmem:s26], [sflag:$0x1], $0x80, v4, vm0, $0xb8;
	[tilespmem:$0x10100] =	vst v63  }
0x3c: {  	v3 =	vperm.xlane v3, v2  }
0x3d: {  	[hbm4b:s4+s3] =	stream.indirect_vreg.scatter [tilespmem:s28], [sflag:$0x1], $0x80, v4, vm0, $0xb8;
	[tilespmem:$0x10100] =	vst v63  }
0x3e: {  	v3 =	vadd.s32 v1, v3  }
0x3f: {  	[hbm4b:s5+s3] =	stream.indirect_vreg.scatter [tilespmem:s29], [sflag:$0x1], $0x80, v4, vm0, $0xb8;
	[tilespmem:$0x10100] =	vst v63  }
0x40: {  	_ = 	snop  }
0x41: {  	[hbm4b:s6+s3] =	stream.indirect_vreg.scatter [tilespmem:s30], [sflag:$0x1], $0x80, v4, vm0, $0xb8;
	[tilespmem:$0x10100] =	vst v63  }
0x42: {  	_ = 	snop  }
0x43: {  	[hbm4b:s2+s3] =	stream.indirect_vreg.scatter [tilespmem:s31], [sflag:$0x1], $0x80, v3, vm0, $0xb8;
	[tilespmem:$0x10100] =	vst v63  }
0x44: {  	s1 =	simm.s32 $0x6900  }
0x45: {  	[hbm4b:s4+s3] =	stream.indirect_vreg.scatter [tilespmem:s1], [sflag:$0x1], $0x80, v3, vm0, $0xb8;
	[tilespmem:$0x10100] =	vst v63  }
0x46: {  	s0 =	simm.s32 $0x7100  }
0x47: {  	[hbm4b:s5+s3] =	stream.indirect_vreg.scatter [tilespmem:s0], [sflag:$0x1], $0x80, v3, vm0, $0xb8;
	[tilespmem:$0x10100] =	vst v63  }
0x48: {  	_ = 	snop  }
0x49: {  	[hbm4b:s6+s3] =	stream.indirect_vreg.scatter [tilespmem:s10], [sflag:$0x1], $0x80, v3, vm0, $0xb8;
	[tilespmem:$0x10100] =	vst v63  }
0x4a: {  	v3 =	vld [tilespmem:$0x20];
	_ =	sdelay $0x4  }
0x4b: {  	v58 =	vshll.u32 v3, $0x3  }
0x4c: {  	v3 =	vand.u32 $0x7, v3;
	v4 =	vand.u32 $0xFFFFFFC0, v58  }
0x4d: {  	v3 =	vor.u32 v3, v4  }
0x4e: {  	v4 =	vperm.xlane v3, v0;
	_ =	sdelay $0x1  }
0x4f: {  	v4 =	vadd.s32 v1, v4;
	_ =	sdelay $0x4  }
0x50: {  	[hbm4b:s2+s3] =	stream.indirect_vreg.scatter [tilespmem:s11], [sflag:$0x1], $0x80, v4, vm0, $0xb8;
	[tilespmem:$0x10100] =	vst v63  }
0x51: {  	v3 =	vperm.xlane v3, v2  }
0x52: {  	[hbm4b:s4+s3] =	stream.indirect_vreg.scatter [tilespmem:s12], [sflag:$0x1], $0x80, v4, vm0, $0xb8;
	[tilespmem:$0x10100] =	vst v63  }
0x53: {  	v3 =	vadd.s32 v1, v3  }
0x54: {  	[hbm4b:s5+s3] =	stream.indirect_vreg.scatter [tilespmem:s13], [sflag:$0x1], $0x80, v4, vm0, $0xb8;
	[tilespmem:$0x10100] =	vst v63  }
0x55: {  	_ = 	snop  }
0x56: {  	[hbm4b:s6+s3] =	stream.indirect_vreg.scatter [tilespmem:s14], [sflag:$0x1], $0x80, v4, vm0, $0xb8;
	[tilespmem:$0x10100] =	vst v63  }
0x57: {  	_ = 	snop  }
0x58: {  	[hbm4b:s2+s3] =	stream.indirect_vreg.scatter [tilespmem:s15], [sflag:$0x1], $0x80, v3, vm0, $0xb8;
	[tilespmem:$0x10100] =	vst v63  }
0x59: {  	_ = 	snop  }
0x5a: {  	[hbm4b:s4+s3] =	stream.indirect_vreg.scatter [tilespmem:s16], [sflag:$0x1], $0x80, v3, vm0, $0xb8;
	[tilespmem:$0x10100] =	vst v63  }
0x5b: {  	_ = 	snop  }
0x5c: {  	[hbm4b:s5+s3] =	stream.indirect_vreg.scatter [tilespmem:s17], [sflag:$0x1], $0x80, v3, vm0, $0xb8;
	[tilespmem:$0x10100] =	vst v63  }
0x5d: {  	_ = 	snop  }
0x5e: {  	[hbm4b:s6+s3] =	stream.indirect_vreg.scatter [tilespmem:s9], [sflag:$0x1], $0x80, v3, vm0, $0xb8;
	[tilespmem:$0x10100] =	vst v63  }
0x5f: {  	v3 =	vld [tilespmem:$0x30];
	_ =	sdelay $0x4  }
0x60: {  	v59 =	vshll.u32 v3, $0x3  }
0x61: {  	v3 =	vand.u32 $0x7, v3;
	v4 =	vand.u32 $0xFFFFFFC0, v59  }
0x62: {  	v3 =	vor.u32 v3, v4  }
0x63: {  	v4 =	vperm.xlane v3, v0;
	_ =	sdelay $0x1  }
0x64: {  	v4 =	vadd.s32 v1, v4;
	_ =	sdelay $0x3  }
0x65: {  	s0 =	simm.s32 $0xC100  }
0x66: {  	[hbm4b:s2+s3] =	stream.indirect_vreg.scatter [tilespmem:s0], [sflag:$0x1], $0x80, v4, vm0, $0xb8;
	[tilespmem:$0x10100] =	vst v63  }
0x67: {  	v3 =	vperm.xlane v3, v2;
	s0 =	simm.s32 $0xC900  }
0x68: {  	[hbm4b:s4+s3] =	stream.indirect_vreg.scatter [tilespmem:s0], [sflag:$0x1], $0x80, v4, vm0, $0xb8;
	[tilespmem:$0x10100] =	vst v63  }
0x69: {  	v3 =	vadd.s32 v1, v3;
	s0 =	simm.s32 $0xD100  }
0x6a: {  	[hbm4b:s5+s3] =	stream.indirect_vreg.scatter [tilespmem:s0], [sflag:$0x1], $0x80, v4, vm0, $0xb8;
	[tilespmem:$0x10100] =	vst v63  }
0x6b: {  	s0 =	simm.s32 $0xD900  }
0x6c: {  	[hbm4b:s6+s3] =	stream.indirect_vreg.scatter [tilespmem:s0], [sflag:$0x1], $0x80, v4, vm0, $0xb8;
	[tilespmem:$0x10100] =	vst v63  }
0x6d: {  	s0 =	simm.s32 $0xE100  }
0x6e: {  	[hbm4b:s2+s3] =	stream.indirect_vreg.scatter [tilespmem:s0], [sflag:$0x1], $0x80, v3, vm0, $0xb8;
	[tilespmem:$0x10100] =	vst v63  }
0x6f: {  	s0 =	simm.s32 $0xE900  }
0x70: {  	[hbm4b:s4+s3] =	stream.indirect_vreg.scatter [tilespmem:s0], [sflag:$0x1], $0x80, v3, vm0, $0xb8;
	[tilespmem:$0x10100] =	vst v63  }
0x71: {  	s0 =	simm.s32 $0xF100  }
0x72: {  	[hbm4b:s5+s3] =	stream.indirect_vreg.scatter [tilespmem:s0], [sflag:$0x1], $0x80, v3, vm0, $0xb8;
	[tilespmem:$0x10100] =	vst v63  }
0x73: {  	s0 =	simm.s32 $0xF900  }
0x74: {  	[hbm4b:s6+s3] =	stream.indirect_vreg.scatter [tilespmem:s0], [sflag:$0x1], $0x80, v3, vm0, $0xb8;
	[tilespmem:$0x10100] =	vst v63  }
0x75: {  	v3 =	vld [tilespmem:$0x80];
	_ =	sdelay $0x4  }
0x76: {  	v60 =	vshll.u32 v3, $0x3  }
0x77: {  	v3 =	vand.u32 $0x7, v3;
	v4 =	vand.u32 $0xFFFFFFC0, v60  }
0x78: {  	v3 =	vor.u32 v3, v4  }
0x79: {  	v4 =	vperm.xlane v3, v0;
	_ =	sdelay $0x1  }
0x7a: {  	v4 =	vadd.s32 v1, v4;
	_ =	sdelay $0x4  }
0x7b: {  	[hbm4b:s2+s3] =	stream.indirect_vreg.scatter [tilespmem:s18], [sflag:$0x1], $0x80, v4, vm0, $0xb8;
	[tilespmem:$0x10100] =	vst v63  }
0x7c: {  	v3 =	vperm.xlane v3, v2  }
0x7d: {  	[hbm4b:s4+s3] =	stream.indirect_vreg.scatter [tilespmem:s19], [sflag:$0x1], $0x80, v4, vm0, $0xb8;
	[tilespmem:$0x10100] =	vst v63  }
0x7e: {  	v3 =	vadd.s32 v1, v3  }
0x7f: {  	[hbm4b:s5+s3] =	stream.indirect_vreg.scatter [tilespmem:s20], [sflag:$0x1], $0x80, v4, vm0, $0xb8;
	[tilespmem:$0x10100] =	vst v63  }
0x80: {  	_ = 	snop  }
0x81: {  	[hbm4b:s6+s3] =	stream.indirect_vreg.scatter [tilespmem:s21], [sflag:$0x1], $0x80, v4, vm0, $0xb8;
	[tilespmem:$0x10100] =	vst v63  }
0x82: {  	_ = 	snop  }
0x83: {  	[hbm4b:s2+s3] =	stream.indirect_vreg.scatter [tilespmem:s22], [sflag:$0x1], $0x80, v3, vm0, $0xb8;
	[tilespmem:$0x10100] =	vst v63  }
0x84: {  	_ = 	snop  }
0x85: {  	[hbm4b:s4+s3] =	stream.indirect_vreg.scatter [tilespmem:s23], [sflag:$0x1], $0x80, v3, vm0, $0xb8;
	[tilespmem:$0x10100] =	vst v63  }
0x86: {  	_ = 	snop  }
0x87: {  	[hbm4b:s5+s3] =	stream.indirect_vreg.scatter [tilespmem:s24], [sflag:$0x1], $0x80, v3, vm0, $0xb8;
	[tilespmem:$0x10100] =	vst v63  }
0x88: {  	_ = 	snop  }
0x89: {  	[hbm4b:s6+s3] =	stream.indirect_vreg.scatter [tilespmem:s25], [sflag:$0x1], $0x80, v3, vm0, $0xb8;
	[tilespmem:$0x10100] =	vst v63  }
0x8a: {  	v3 =	vld [tilespmem:$0x90];
	_ =	sdelay $0x4  }
0x8b: {  	v61 =	vshll.u32 v3, $0x3  }
0x8c: {  	v3 =	vand.u32 $0x7, v3;
	v4 =	vand.u32 $0xFFFFFFC0, v61  }
0x8d: {  	v3 =	vor.u32 v3, v4  }
0x8e: {  	v4 =	vperm.xlane v3, v0;
	_ =	sdelay $0x1  }
0x8f: {  	v4 =	vadd.s32 v1, v4;
	_ =	sdelay $0x4  }
0x90: {  	[hbm4b:s2+s3] =	stream.indirect_vreg.scatter [tilespmem:s26], [sflag:$0x1], $0x80, v4, vm0, $0xb8;
	[tilespmem:$0x10100] =	vst v63  }
0x91: {  	v3 =	vperm.xlane v3, v2  }
0x92: {  	[hbm4b:s4+s3] =	stream.indirect_vreg.scatter [tilespmem:s28], [sflag:$0x1], $0x80, v4, vm0, $0xb8;
	[tilespmem:$0x10100] =	vst v63  }
0x93: {  	v3 =	vadd.s32 v1, v3  }
0x94: {  	[hbm4b:s5+s3] =	stream.indirect_vreg.scatter [tilespmem:s29], [sflag:$0x1], $0x80, v4, vm0, $0xb8;
	[tilespmem:$0x10100] =	vst v63  }
0x95: {  	_ = 	snop  }
0x96: {  	[hbm4b:s6+s3] =	stream.indirect_vreg.scatter [tilespmem:s30], [sflag:$0x1], $0x80, v4, vm0, $0xb8;
	[tilespmem:$0x10100] =	vst v63  }
0x97: {  	_ = 	snop  }
0x98: {  	[hbm4b:s2+s3] =	stream.indirect_vreg.scatter [tilespmem:s31], [sflag:$0x1], $0x80, v3, vm0, $0xb8;
	[tilespmem:$0x10100] =	vst v63  }
0x99: {  	_ = 	snop  }
0x9a: {  	[hbm4b:s4+s3] =	stream.indirect_vreg.scatter [tilespmem:s1], [sflag:$0x1], $0x80, v3, vm0, $0xb8;
	[tilespmem:$0x10100] =	vst v63  }
0x9b: {  	s20 =	simm.s32 $0x7100  }
0x9c: {  	[hbm4b:s5+s3] =	stream.indirect_vreg.scatter [tilespmem:s20], [sflag:$0x1], $0x80, v3, vm0, $0xb8;
	[tilespmem:$0x10100] =	vst v63  }
0x9d: {  	_ = 	snop  }
0x9e: {  	[hbm4b:s6+s3] =	stream.indirect_vreg.scatter [tilespmem:s10], [sflag:$0x1], $0x80, v3, vm0, $0xb8;
	[tilespmem:$0x10100] =	vst v63  }
0x9f: {  	v3 =	vld [tilespmem:$0xA0];
	_ =	sdelay $0x4  }
0xa0: {  	v62 =	vshll.u32 v3, $0x3  }
0xa1: {  	v3 =	vand.u32 $0x7, v3;
	v4 =	vand.u32 $0xFFFFFFC0, v62  }
0xa2: {  	v3 =	vor.u32 v3, v4  }
0xa3: {  	v4 =	vperm.xlane v3, v0;
	_ =	sdelay $0x1  }
0xa4: {  	v4 =	vadd.s32 v1, v4;
	_ =	sdelay $0x4  }
0xa5: {  	[hbm4b:s2+s3] =	stream.indirect_vreg.scatter [tilespmem:s11], [sflag:$0x1], $0x80, v4, vm0, $0xb8;
	[tilespmem:$0x10100] =	vst v63  }
0xa6: {  	v3 =	vperm.xlane v3, v2  }
0xa7: {  	[hbm4b:s4+s3] =	stream.indirect_vreg.scatter [tilespmem:s12], [sflag:$0x1], $0x80, v4, vm0, $0xb8;
	[tilespmem:$0x10100] =	vst v63  }
0xa8: {  	v3 =	vadd.s32 v1, v3  }
0xa9: {  	[hbm4b:s5+s3] =	stream.indirect_vreg.scatter [tilespmem:s13], [sflag:$0x1], $0x80, v4, vm0, $0xb8;
	[tilespmem:$0x10100] =	vst v63  }
0xaa: {  	_ = 	snop  }
0xab: {  	[hbm4b:s6+s3] =	stream.indirect_vreg.scatter [tilespmem:s14], [sflag:$0x1], $0x80, v4, vm0, $0xb8;
	[tilespmem:$0x10100] =	vst v63  }
0xac: {  	_ = 	snop  }
0xad: {  	[hbm4b:s2+s3] =	stream.indirect_vreg.scatter [tilespmem:s15], [sflag:$0x1], $0x80, v3, vm0, $0xb8;
	[tilespmem:$0x10100] =	vst v63  }
0xae: {  	_ = 	snop  }
0xaf: {  	[hbm4b:s4+s3] =	stream.indirect_vreg.scatter [tilespmem:s16], [sflag:$0x1], $0x80, v3, vm0, $0xb8;
	[tilespmem:$0x10100] =	vst v63  }
0xb0: {  	_ = 	snop  }
0xb1: {  	[hbm4b:s5+s3] =	stream.indirect_vreg.scatter [tilespmem:s17], [sflag:$0x1], $0x80, v3, vm0, $0xb8;
	[tilespmem:$0x10100] =	vst v63  }
0xb2: {  	_ = 	snop  }
0xb3: {  	[hbm4b:s6+s3] =	stream.indirect_vreg.scatter [tilespmem:s9], [sflag:$0x1], $0x80, v3, vm0, $0xb8;
	[tilespmem:$0x10100] =	vst v63  }
0xb4: {  	v3 =	vld [tilespmem:$0xB0];
	_ =	sdelay $0x4  }
0xb5: {  	v63 =	vshll.u32 v3, $0x3  }
0xb6: {  	v3 =	vand.u32 $0x7, v3;
	v4 =	vand.u32 $0xFFFFFFC0, v63  }
0xb7: {  	v3 =	vor.u32 v3, v4  }
0xb8: {  	v4 =	vperm.xlane v3, v0;
	_ =	sdelay $0x1  }
0xb9: {  	v4 =	vadd.s32 v1, v4;
	_ =	sdelay $0x3  }
0xba: {  	s19 =	simm.s32 $0xC100  }
0xbb: {  	[hbm4b:s2+s3] =	stream.indirect_vreg.scatter [tilespmem:s19], [sflag:$0x1], $0x80, v4, vm0, $0xb8;
	[tilespmem:$0x10100] =	vst v63  }
0xbc: {  	s20 =	simm.s32 $0xC900;
	v3 =	vperm.xlane v3, v2  }
0xbd: {  	[hbm4b:s4+s3] =	stream.indirect_vreg.scatter [tilespmem:s20], [sflag:$0x1], $0x80, v4, vm0, $0xb8;
	[tilespmem:$0x10100] =	vst v63  }
0xbe: {  	v3 =	vadd.s32 v1, v3;
	s19 =	simm.s32 $0xD100  }
0xbf: {  	[hbm4b:s5+s3] =	stream.indirect_vreg.scatter [tilespmem:s19], [sflag:$0x1], $0x80, v4, vm0, $0xb8;
	[tilespmem:$0x10100] =	vst v63  }
0xc0: {  	s20 =	simm.s32 $0xD900  }
0xc1: {  	[hbm4b:s6+s3] =	stream.indirect_vreg.scatter [tilespmem:s20], [sflag:$0x1], $0x80, v4, vm0, $0xb8;
	[tilespmem:$0x10100] =	vst v63  }
0xc2: {  	s19 =	simm.s32 $0xE100  }
0xc3: {  	[hbm4b:s2+s3] =	stream.indirect_vreg.scatter [tilespmem:s19], [sflag:$0x1], $0x80, v3, vm0, $0xb8;
	[tilespmem:$0x10100] =	vst v63  }
0xc4: {  	s20 =	simm.s32 $0xE900  }
0xc5: {  	[hbm4b:s4+s3] =	stream.indirect_vreg.scatter [tilespmem:s20], [sflag:$0x1], $0x80, v3, vm0, $0xb8;
	[tilespmem:$0x10100] =	vst v63  }
0xc6: {  	s19 =	simm.s32 $0xF100  }
0xc7: {  	[hbm4b:s5+s3] =	stream.indirect_vreg.scatter [tilespmem:s19], [sflag:$0x1], $0x80, v3, vm0, $0xb8;
	[tilespmem:$0x10100] =	vst v63  }
0xc8: {  	s20 =	simm.s32 $0x1  }
0xc9: {  	[hbm4b:s6+s3] =	stream.indirect_vreg.scatter [tilespmem:s0], [sflag:$0x1], $0x80, v3, vm0, $0xb8;
	[tilespmem:$0x10100] =	vst v63  }
0xca: {  	p0 =	sne.s32 s7, $0x1;
	_ =	swait.ge [sflag:s20], $0x10000  }
.Ltmp0:
0xcb: {  	[sflag:s20] =	ssyncset.done $0x0;
	(pc) =	sbr.rel @p0 .LBB2_1-.Ltmp0, $4  }
0xcc: {  	[sflag:s20] =	ssyncadd.s32 $0xFFFF0000  }
0xcd: {  	_ =	swait.ge [sflag:s20], $0x10000  }
0xce: {  	[sflag:s20] =	ssyncset.done $0x0  }
0xcf: {  	s7 =	sadd.s32 $0xFFFFFFFF, s7;
	[sflag:s20] =	ssyncadd.s32 $0xFFFF0000  }
0xd0: {  	_ =	sfence.sel $0x180000  }
0xd1: {  	[bflag:$0x0] =	sbarrier.arrive $0xFFFF  }
0xd2: {  	_ =	strace $0x90000047  }
0xd3: {  	s0 =	stileid.u32;
	[bflag:$0x2] =	sbarrier.arrive $0xFFFF  }
0xd4: {  	p0 =	sne.s32 s0, $0x0;
	s0 =	rddreg [dreg:$0x4]  }
0xd5: {  	s0 =	sadd.s32 @!p0 $0x100000, s0  }
0xd6: {  	[sflag:s0] =	ssyncadd.tile.s32 @!p0 $0x1;
	_ =	shalt  }
.Lfunc_end2:
_tile_overlayer_lowered:
.L_overlay_start_2:
0xd7: {  	(tag) =	ssettag $0x2  }
0xd8: {  	s0 =	rddreg [dreg:$0x0];
	s2 =	stileid.u32  }
0xd9: {  	s1 =	rddreg [dreg:$0x1];
	p0 =	sne.s32 s2, $0x0  }
0xda: {  	s3 =	rddreg [dreg:$0x2];
	[bflag:$0x3] =	sbarrier.arrive $0xFFFF;
	s2 =	simm.s32 @!p0 $0x1C02  }
0xdb: {  	[timem:s3], [sflag:s2] =	dma.local @!p0 [hbm:s0], s1  }
0xdc: {  	s0 =	simm.s32 @!p0 $0x2  }
0xdd: {  	_ =	swait.ge @!p0 [sflag:s0], s1  }
0xde: {  	s1 =	ssub.s32 @!p0 $0x0, s1;
	[sflag:s0] =	ssyncset.done @!p0 $0x0  }
0xdf: {  	[sflag:s0] =	ssyncadd.s32 @!p0 s1  }
0xe0: {  	[bflag:$0x3] =	sbarrier.arrive $0xFFFF  }
0xe1: {  	_ =	shalt  }

</sc_bundles>
